<compile_context>
chip_gen: v7x
topology: tpu7x:2x2x1
jax: 0.10.2.dev20260603
libtpu: 0.0.44.dev20260713+nightly
codegen_flags: <defaults>
</compile_context>

<pallas_src>
import functools

import jax
import jax.numpy as jnp
from jax import lax
from jax.experimental import pallas as pl
from jax.experimental.pallas import tpu as pltpu
from jax.experimental.pallas import tpu_sc as plsc

NPTS = 500
PAD = 512
CF = 160
DIM = 64
NS = 16
PPT = PAD // NS
NCH = CF // 16


def _sc_body(us, u1, u2, i8, i4, i2, i14, wv, b1, dfft, dfst, plus2_out,
             idx8_v, idx4_v, idx2_v, idx14_v, wv_v, b1_v,
             usl, dffl, dfsl, rows0, rows1, e_acc, h_acc,
             hsh, dssh, nfsh, sem0, sem1, sem2):
    wid = lax.axis_index("s")
    base = wid * PPT

    c_i8 = pltpu.async_copy(i8.at[pl.ds(base * 8, PPT * 8)], idx8_v, sem0)
    c_i4 = pltpu.async_copy(i4.at[pl.ds(base * 4, PPT * 4)], idx4_v, sem0)
    c_i2 = pltpu.async_copy(i2.at[pl.ds(base * 8, PPT * 8)], idx2_v, sem0)
    c_i14 = pltpu.async_copy(i14.at[pl.ds(base * 4, PPT * 4)], idx14_v, sem0)
    c_wv = pltpu.async_copy(wv.at[pl.ds(base * 8, PPT * 8)], wv_v, sem0)
    c_b1 = pltpu.async_copy(b1, b1_v, sem0)
    c_us = pltpu.async_copy(us.at[pl.ds(base, PPT)], usl, sem0)
    c_dff = pltpu.async_copy(dfft.at[pl.ds(base, PPT)], dffl, sem0)
    c_dfs = pltpu.async_copy(dfst.at[pl.ds(base, PPT)], dfsl, sem0)
    c_i8.wait()
    if True:
        c_us.wait()
        pltpu.sync_copy(usl, plus2_out.at[pl.ds(base, PPT)])
        return

    ga0 = pltpu.async_copy(u1.at[idx8_v.at[pl.ds(0, 128)]], rows0, sem1)
    ga1 = pltpu.async_copy(u1.at[idx8_v.at[pl.ds(128, 128)]], rows1, sem2)
    c_wv.wait()
    c_us.wait()

    def acc_stage(rows, ch, acc, init):
        def acc_body(q, carry):
            wvec = wv_v[pl.ds(ch * 128 + q * 16, 16)] * 0.125
            for t in range(2):
                p = q * 2 + t
                g = ch * 16 + p
                ws = [wvec[t * 8 + j] for j in range(8)]
                for c in range(NCH):
                    sl = pl.ds(c * 16, 16)
                    v = usl[g, sl] if init else acc[g, sl]
                    for j in range(8):
                        v = v - ws[j] * rows[p * 8 + j, sl]
                    acc[g, sl] = v
            return carry
        lax.fori_loop(0, 8, acc_body, 0)

    ga0.wait()
    acc_stage(rows0, 0, e_acc, True)
    ga1.wait()
    gb0 = pltpu.async_copy(u2.at[idx8_v.at[pl.ds(0, 128)]], rows0, sem1)
    acc_stage(rows1, 1, e_acc, True)
    gb1 = pltpu.async_copy(u2.at[idx8_v.at[pl.ds(128, 128)]], rows1, sem2)
    gb0.wait()
    acc_stage(rows0, 0, h_acc, True)
    gb1.wait()
    acc_stage(rows1, 1, h_acc, True)

    pltpu.sync_copy(h_acc, hsh.at[pl.ds(base, PPT)])
    plsc.subcore_barrier()
    c_i4.wait()
    pltpu.async_copy(hsh.at[idx4_v], rows0, sem1).wait()
    c_b1.wait()

    def sig_body(p, carry):
        for c in range(NCH):
            sl = pl.ds(c * 16, 16)
            s = rows0[4 * p, sl] + rows0[4 * p + 1, sl]
            s = s + rows0[4 * p + 2, sl] + rows0[4 * p + 3, sl]
            x = e_acc[p, sl] + s * 0.25 + b1_v[sl]
            h_acc[p, sl] = 1.0 / (1.0 + jnp.exp(-x))
        return carry

    lax.fori_loop(0, PPT, sig_body, 0)

    pltpu.sync_copy(h_acc, dssh.at[pl.ds(base, PPT)])
    plsc.subcore_barrier()
    c_i2.wait()
    gd0 = pltpu.async_copy(dssh.at[idx2_v.at[pl.ds(0, 128)]], rows0, sem1)
    gd1 = pltpu.async_copy(dssh.at[idx2_v.at[pl.ds(128, 128)]], rows1, sem2)
    c_dff.wait()

    def times_stage(rows, ch):
        def times_body(p, carry):
            g = ch * 16 + p
            for c in range(NCH):
                sl = pl.ds(c * 16, 16)
                s = rows[p * 8, sl] + rows[p * 8 + 1, sl]
                for j in range(2, 8):
                    s = s + rows[p * 8 + j, sl]
                e_acc[g, sl] = dffl[g, sl] * s * 0.125
            return carry
        lax.fori_loop(0, 16, times_body, 0)

    gd0.wait()
    times_stage(rows0, 0)
    gd1.wait()
    times_stage(rows1, 1)

    pltpu.sync_copy(e_acc, nfsh.at[pl.ds(base, PPT)])
    plsc.subcore_barrier()
    c_i14.wait()
    pltpu.async_copy(nfsh.at[idx14_v], rows0, sem1).wait()
    c_dfs.wait()

    def plus2_body(p, carry):
        for c in range(NCH):
            sl = pl.ds(c * 16, 16)
            s = rows0[4 * p, sl] + rows0[4 * p + 1, sl]
            s = s + rows0[4 * p + 2, sl] + rows0[4 * p + 3, sl]
            h_acc[p, sl] = dfsl[p, sl] + s * 0.25
        return carry

    lax.fori_loop(0, PPT, plus2_body, 0)
    pltpu.sync_copy(h_acc, plus2_out.at[pl.ds(base, PPT)])


@functools.lru_cache(maxsize=None)
def _sc_kernel():
    mesh = plsc.VectorSubcoreMesh(
        core_axis_name="c", subcore_axis_name="s", num_cores=1,
        num_subcores=NS)
    return pl.kernel(
        _sc_body,
        out_type=jax.ShapeDtypeStruct((PAD, CF), jnp.float32),
        mesh=mesh,
        compiler_params=pltpu.CompilerParams(use_tc_tiling_on_sc=False),
        scratch_types=[
            pltpu.VMEM((PPT * 8,), jnp.int32),
            pltpu.VMEM((PPT * 4,), jnp.int32),
            pltpu.VMEM((PPT * 8,), jnp.int32),
            pltpu.VMEM((PPT * 4,), jnp.int32),
            pltpu.VMEM((PPT * 8,), jnp.float32),
            pltpu.VMEM((CF,), jnp.float32),
            pltpu.VMEM((PPT, CF), jnp.float32),
            pltpu.VMEM((PPT, CF), jnp.float32),
            pltpu.VMEM((PPT, CF), jnp.float32),
            pltpu.VMEM((128, CF), jnp.float32),
            pltpu.VMEM((128, CF), jnp.float32),
            pltpu.VMEM((PPT, CF), jnp.float32),
            pltpu.VMEM((PPT, CF), jnp.float32),
            pltpu.VMEM_SHARED((PAD, CF), jnp.float32),
            pltpu.VMEM_SHARED((PAD, CF), jnp.float32),
            pltpu.VMEM_SHARED((PAD, CF), jnp.float32),
            pltpu.SemaphoreType.DMA,
            pltpu.SemaphoreType.DMA,
            pltpu.SemaphoreType.DMA,
        ],
    )


def _tc_pre_body(ft_ref, f1t_ref, f2t_ref, wvr_ref, w1t_ref,
                 us_ref, u1_ref, u2_ref):
    w1t = w1t_ref[...]
    s1 = jnp.sum(wvr_ref[...], axis=1, keepdims=True) * 0.125
    us_ref[...] = jnp.dot(ft_ref[...], w1t,
                          preferred_element_type=jnp.float32) * s1
    u1_ref[...] = jnp.dot(f1t_ref[...], w1t, preferred_element_type=jnp.float32)
    u2_ref[...] = jnp.dot(f2t_ref[...], w1t, preferred_element_type=jnp.float32)


def _tc_conv2_body(plus2_ref, w3_ref, b3_ref, out_ref):
    out_ref[...] = lax.dot_general(
        w3_ref[...], plus2_ref[...], (((1,), (1,)), ((), ())),
        preferred_element_type=jnp.float32) + b3_ref[...]


@jax.jit
def kernel(feat, feat1, feat2, inds, inds1, inds2, wei1, wei2,
           dens_feat_f, dens_feat_s, W1, b1, W3, b3):
    del wei2
    padp = PAD - NPTS

    def padt(x):
        return jnp.pad(x[0].T, ((0, padp), (0, 0)))

    def padflat(x, k):
        return jnp.pad(x[0].astype(jnp.int32).reshape(NPTS, k),
                       ((0, padp), (0, 0))).reshape(-1)

    ft = padt(feat)
    f1t = padt(feat1)
    f2t = padt(feat2)
    dfft = padt(dens_feat_f)
    dfst = padt(dens_feat_s)
    i8 = padflat(inds1, 8)
    i4 = padflat(inds, 4)
    i2 = padflat(inds2, 8)
    i14 = jnp.pad(inds1[0].astype(jnp.int32).reshape(NPTS, 8)[:, :4],
                  ((0, padp), (0, 0))).reshape(-1)
    wvr = jnp.pad(wei1[0].reshape(NPTS, 8), ((0, padp), (0, 0)))

    us_t, u1_t, u2_t = pl.pallas_call(
        _tc_pre_body,
        out_shape=[jax.ShapeDtypeStruct((PAD, CF), jnp.float32)] * 3,
    )(ft, f1t, f2t, wvr, W1.T)

    plus2_t = _sc_kernel()(us_t, u1_t, u2_t, i8, i4, i2, i14,
                           wvr.reshape(-1), b1, dfft, dfst)

    out = pl.pallas_call(
        _tc_conv2_body,
        out_shape=jax.ShapeDtypeStruct((CF, PAD), jnp.float32),
    )(plus2_t, W3, b3[:, None])
    return out[None, :, :NPTS]

# --- scband reference (transcript-rebuilt; emitter-appended) ---
"""Pipeline reference for scband-points-op-25383256719966 (READ-ONLY COPY).

The authoritative reference and input builder live on the scoring server;
editing this copy changes nothing except your own understanding.
"""

import jax, jax.numpy as jnp
import numpy as np

NPTS = 500
CF = 160


def _conv1x1(W, b, x):
    # torch Conv1d with kernel_size=1: [1, Cin, N] -> [1, Cout, N]
    return jnp.einsum('oc,bcn->bon', W, x) + b[None, :, None]


def _points_diff(feat1, feat2, inds, weight, dim=64, nn=8):
    # PointsDiff.forward: gather 8 neighbors, weighted difference, mean over neighbors
    sel = feat2[:, :, inds.reshape(-1)]                                   # [1, dim, 4000]
    cur = jnp.repeat(feat1[:, :, :, None], nn, axis=3).reshape(1, dim, -1) # [1, dim, 4000]
    diff = (cur - sel) * weight.reshape(1, 1, -1)
    return diff.reshape(1, dim, NPTS, nn).sum(axis=3) / nn                 # [1, dim, 500]


def _points_plus(feat1, feat2, inds, dim=64, nn=4):
    # PointsPlus.forward: gather 4 neighbors, add, AvgPool1d(4) over neighbor groups
    npts = feat1.shape[2]
    sel = feat2[:, :, inds.reshape(-1)]                                    # [1, dim, npts*4]
    cur = jnp.repeat(feat1[:, :, :, None], nn, axis=3).reshape(1, dim, -1)
    diff = cur + sel
    return diff.reshape(1, dim, npts, nn).mean(axis=3)                     # [1, dim, npts]


def _points_times(feat1, feat2, inds, dim=160, nn=8):
    # PointsTimes.forward: gather 8 neighbors, multiply, mean over neighbors
    sel = feat2[:, :, inds.reshape(-1)]
    cur = jnp.repeat(feat1[:, :, :, None], nn, axis=3).reshape(1, dim, -1)
    return (cur * sel).reshape(1, dim, NPTS, nn).sum(axis=3) / nn


def setup_inputs(seed: int = 0) -> dict:
    key = jax.random.key(seed)
    ks = jax.random.split(key, 14)
    inp = {}
    inp['feat'] = jax.random.normal(ks[0], (1, 64, NPTS), dtype=jnp.float32)
    inp['feat1'] = jax.random.normal(ks[1], (1, 64, NPTS), dtype=jnp.float32)
    inp['feat2'] = jax.random.normal(ks[2], (1, 64, NPTS), dtype=jnp.float32)
    inp['inds'] = jax.random.randint(ks[3], (1, 2000), 0, NPTS, dtype=jnp.int64) if jax.config.jax_enable_x64 else jax.random.randint(ks[3], (1, 2000), 0, NPTS).astype(jnp.int32)
    inp['inds1'] = jax.random.randint(ks[4], (1, 4000), 0, NPTS).astype(jnp.int32)
    inp['inds2'] = jax.random.randint(ks[5], (1, 4000), 0, NPTS).astype(jnp.int32)
    inp['wei1'] = jax.random.uniform(ks[6], (1, 4000), dtype=jnp.float32)
    inp['wei2'] = jax.random.uniform(ks[7], (1, 4000), dtype=jnp.float32)
    inp['dens_feat_f'] = jax.random.normal(ks[8], (1, CF, NPTS), dtype=jnp.float32)
    inp['dens_feat_s'] = jax.random.normal(ks[9], (1, CF, NPTS), dtype=jnp.float32)
    # Conv1d(64, 160, 1) and Conv1d(160, 160, 1) parameters
    inp['W1'] = jax.random.normal(ks[10], (CF, 64), dtype=jnp.float32) * 0.05
    inp['b1'] = jnp.zeros((CF,), dtype=jnp.float32)
    inp['W3'] = jax.random.normal(ks[11], (CF, CF), dtype=jnp.float32) * 0.05
    inp['b3'] = jnp.zeros((CF,), dtype=jnp.float32)
    return inp


def reference(feat, feat1, feat2, inds, inds1, inds2, wei1, wei2, dens_feat_f, dens_feat_s, W1, b1, W3, b3):
    pix_diff = _points_diff(feat, feat1, inds1, wei1)          # [1, 64, 500]
    pt_diff = _points_diff(feat, feat2, inds1, wei1)           # [1, 64, 500]
    diff_sum = jax.nn.sigmoid(_conv1x1(W1, b1, _points_plus(pix_diff, pt_diff, inds, dim=64)))  # [1, 160, 500]
    new_f = _points_times(dens_feat_f, diff_sum, inds2)        # [1, 160, 500]
    # Original torch code passes inds1 (500*8 entries) into PointsPlus (which needs 500*4),
    # which would crash; faithful fix: use the first 4 of the 8 neighbors per point.
    inds1_4 = inds1.reshape(NPTS, 8)[:, :4].reshape(-1)
    out = _conv1x1(W3, b3, _points_plus(dens_feat_s, new_f, inds1_4, dim=CF))  # [1, 160, 500]
    return out

if __name__ == "__main__":
    import jax
    _d = setup_inputs()
    print(jax.jit(kernel)(*tuple(_d.values())))

</pallas_src>

<mosaic_0001>
#map = affine_map<(d0, d1) -> (0, 0)>
#map1 = affine_map<(d0, d1) -> (0)>
module attributes {stable_mosaic.version = 14 : i64} {
  func.func @_sc_body(%arg0: i32, %arg1: i32, %arg2: memref<512x160xf32, #tpu.memory_space<hbm>>, %arg3: memref<512x160xf32, #tpu.memory_space<hbm>>, %arg4: memref<512x160xf32, #tpu.memory_space<hbm>>, %arg5: memref<4096xi32, #tpu.memory_space<hbm>>, %arg6: memref<2048xi32, #tpu.memory_space<hbm>>, %arg7: memref<4096xi32, #tpu.memory_space<hbm>>, %arg8: memref<2048xi32, #tpu.memory_space<hbm>>, %arg9: memref<4096xf32, #tpu.memory_space<hbm>>, %arg10: memref<160xf32, #tpu.memory_space<hbm>>, %arg11: memref<512x160xf32, #tpu.memory_space<hbm>>, %arg12: memref<512x160xf32, #tpu.memory_space<hbm>>, %arg13: memref<512x160xf32, #tpu.memory_space<hbm>>, %arg14: memref<256xi32, #tpu.memory_space<vmem>>, %arg15: memref<128xi32, #tpu.memory_space<vmem>>, %arg16: memref<256xi32, #tpu.memory_space<vmem>>, %arg17: memref<128xi32, #tpu.memory_space<vmem>>, %arg18: memref<256xf32, #tpu.memory_space<vmem>>, %arg19: memref<160xf32, #tpu.memory_space<vmem>>, %arg20: memref<32x160xf32, #tpu.memory_space<vmem>>, %arg21: memref<32x160xf32, #tpu.memory_space<vmem>>, %arg22: memref<32x160xf32, #tpu.memory_space<vmem>>, %arg23: memref<128x160xf32, #tpu.memory_space<vmem>>, %arg24: memref<128x160xf32, #tpu.memory_space<vmem>>, %arg25: memref<32x160xf32, #tpu.memory_space<vmem>>, %arg26: memref<32x160xf32, #tpu.memory_space<vmem>>, %arg27: memref<512x160xf32, #tpu.memory_space<vmem_shared>>, %arg28: memref<512x160xf32, #tpu.memory_space<vmem_shared>>, %arg29: memref<512x160xf32, #tpu.memory_space<vmem_shared>>, %arg30: memref<!tpu.dma_semaphore, #tpu.memory_space<semaphore_mem>>, %arg31: memref<!tpu.dma_semaphore, #tpu.memory_space<semaphore_mem>>, %arg32: memref<!tpu.dma_semaphore, #tpu.memory_space<semaphore_mem>>) attributes {dimension_semantics = [#tpu.dimension_semantics<core_parallel>, #tpu.dimension_semantics<subcore_parallel>], iteration_bounds = array<i64: 1, 16>, scalar_prefetch = 0 : i64, scratch_operands = 19 : i64, tpu.core_type = #tpu.core_type<sc_vector_subcore>, window_params = [{transform_indices = #map}, {transform_indices = #map}, {transform_indices = #map}, {transform_indices = #map1}, {transform_indices = #map1}, {transform_indices = #map1}, {transform_indices = #map1}, {transform_indices = #map1}, {transform_indices = #map1}, {transform_indices = #map}, {transform_indices = #map}, {transform_indices = #map}]} {
    %mul3A = arith.constant 32 : i32
    %mul3A_0 = arith.muli %arg1, %mul3A : i32
    %mul3A_1 = arith.constant 8 : i32
    %mul3A_2 = arith.muli %mul3A_0, %mul3A_1 : i32
    %dma_start3A = tpu.memref_slice %arg5[%mul3A_2] : memref<4096xi32, #tpu.memory_space<hbm>> -> memref<256xi32, #tpu.memory_space<hbm>>
    %dma_start3A_3 = tpu.memref_slice %arg5[%mul3A_2] : memref<4096xi32, #tpu.memory_space<hbm>> -> memref<256xi32, #tpu.memory_space<hbm>>
    tpu.enqueue_dma source(%dma_start3A_3 : memref<256xi32, #tpu.memory_space<hbm>>) target(%arg14 : memref<256xi32, #tpu.memory_space<vmem>>) target_semaphore(%arg30 : memref<!tpu.dma_semaphore, #tpu.memory_space<semaphore_mem>>)
    %mul3A_4 = arith.constant 4 : i32
    %mul3A_5 = arith.muli %mul3A_0, %mul3A_4 : i32
    %dma_start3A_6 = tpu.memref_slice %arg6[%mul3A_5] : memref<2048xi32, #tpu.memory_space<hbm>> -> memref<128xi32, #tpu.memory_space<hbm>>
    %dma_start3A_7 = tpu.memref_slice %arg6[%mul3A_5] : memref<2048xi32, #tpu.memory_space<hbm>> -> memref<128xi32, #tpu.memory_space<hbm>>
    tpu.enqueue_dma source(%dma_start3A_7 : memref<128xi32, #tpu.memory_space<hbm>>) target(%arg15 : memref<128xi32, #tpu.memory_space<vmem>>) target_semaphore(%arg30 : memref<!tpu.dma_semaphore, #tpu.memory_space<semaphore_mem>>)
    %mul3A_8 = arith.constant 8 : i32
    %mul3A_9 = arith.muli %mul3A_0, %mul3A_8 : i32
    %dma_start3A_10 = tpu.memref_slice %arg7[%mul3A_9] : memref<4096xi32, #tpu.memory_space<hbm>> -> memref<256xi32, #tpu.memory_space<hbm>>
    %dma_start3A_11 = tpu.memref_slice %arg7[%mul3A_9] : memref<4096xi32, #tpu.memory_space<hbm>> -> memref<256xi32, #tpu.memory_space<hbm>>
    tpu.enqueue_dma source(%dma_start3A_11 : memref<256xi32, #tpu.memory_space<hbm>>) target(%arg16 : memref<256xi32, #tpu.memory_space<vmem>>) target_semaphore(%arg30 : memref<!tpu.dma_semaphore, #tpu.memory_space<semaphore_mem>>)
    %mul3A_12 = arith.constant 4 : i32
    %mul3A_13 = arith.muli %mul3A_0, %mul3A_12 : i32
    %dma_start3A_14 = tpu.memref_slice %arg8[%mul3A_13] : memref<2048xi32, #tpu.memory_space<hbm>> -> memref<128xi32, #tpu.memory_space<hbm>>
    %dma_start3A_15 = tpu.memref_slice %arg8[%mul3A_13] : memref<2048xi32, #tpu.memory_space<hbm>> -> memref<128xi32, #tpu.memory_space<hbm>>
    tpu.enqueue_dma source(%dma_start3A_15 : memref<128xi32, #tpu.memory_space<hbm>>) target(%arg17 : memref<128xi32, #tpu.memory_space<vmem>>) target_semaphore(%arg30 : memref<!tpu.dma_semaphore, #tpu.memory_space<semaphore_mem>>)
    %mul3A_16 = arith.constant 8 : i32
    %mul3A_17 = arith.muli %mul3A_0, %mul3A_16 : i32
    %dma_start3A_18 = tpu.memref_slice %arg9[%mul3A_17] : memref<4096xf32, #tpu.memory_space<hbm>> -> memref<256xf32, #tpu.memory_space<hbm>>
    %dma_start3A_19 = tpu.memref_slice %arg9[%mul3A_17] : memref<4096xf32, #tpu.memory_space<hbm>> -> memref<256xf32, #tpu.memory_space<hbm>>
    tpu.enqueue_dma source(%dma_start3A_19 : memref<256xf32, #tpu.memory_space<hbm>>) target(%arg18 : memref<256xf32, #tpu.memory_space<vmem>>) target_semaphore(%arg30 : memref<!tpu.dma_semaphore, #tpu.memory_space<semaphore_mem>>)
    tpu.enqueue_dma source(%arg10 : memref<160xf32, #tpu.memory_space<hbm>>) target(%arg19 : memref<160xf32, #tpu.memory_space<vmem>>) target_semaphore(%arg30 : memref<!tpu.dma_semaphore, #tpu.memory_space<semaphore_mem>>)
    %dma_start3A_20 = arith.constant 0 : i32
    %dma_start3A_21 = tpu.memref_slice %arg2[%mul3A_0, %dma_start3A_20] : memref<512x160xf32, #tpu.memory_space<hbm>> -> memref<32x160xf32, #tpu.memory_space<hbm>>
    %dma_start3A_22 = arith.constant 0 : i32
    %dma_start3A_23 = tpu.memref_slice %arg2[%mul3A_0, %dma_start3A_22] : memref<512x160xf32, #tpu.memory_space<hbm>> -> memref<32x160xf32, #tpu.memory_space<hbm>>
    tpu.enqueue_dma source(%dma_start3A_23 : memref<32x160xf32, #tpu.memory_space<hbm>>) target(%arg20 : memref<32x160xf32, #tpu.memory_space<vmem>>) target_semaphore(%arg30 : memref<!tpu.dma_semaphore, #tpu.memory_space<semaphore_mem>>)
    %dma_start3A_24 = arith.constant 0 : i32
    %dma_start3A_25 = tpu.memref_slice %arg11[%mul3A_0, %dma_start3A_24] : memref<512x160xf32, #tpu.memory_space<hbm>> -> memref<32x160xf32, #tpu.memory_space<hbm>>
    %dma_start3A_26 = arith.constant 0 : i32
    %dma_start3A_27 = tpu.memref_slice %arg11[%mul3A_0, %dma_start3A_26] : memref<512x160xf32, #tpu.memory_space<hbm>> -> memref<32x160xf32, #tpu.memory_space<hbm>>
    tpu.enqueue_dma source(%dma_start3A_27 : memref<32x160xf32, #tpu.memory_space<hbm>>) target(%arg21 : memref<32x160xf32, #tpu.memory_space<vmem>>) target_semaphore(%arg30 : memref<!tpu.dma_semaphore, #tpu.memory_space<semaphore_mem>>)
    %dma_start3A_28 = arith.constant 0 : i32
    %dma_start3A_29 = tpu.memref_slice %arg12[%mul3A_0, %dma_start3A_28] : memref<512x160xf32, #tpu.memory_space<hbm>> -> memref<32x160xf32, #tpu.memory_space<hbm>>
    %dma_start3A_30 = arith.constant 0 : i32
    %dma_start3A_31 = tpu.memref_slice %arg12[%mul3A_0, %dma_start3A_30] : memref<512x160xf32, #tpu.memory_space<hbm>> -> memref<32x160xf32, #tpu.memory_space<hbm>>
    tpu.enqueue_dma source(%dma_start3A_31 : memref<32x160xf32, #tpu.memory_space<hbm>>) target(%arg22 : memref<32x160xf32, #tpu.memory_space<vmem>>) target_semaphore(%arg30 : memref<!tpu.dma_semaphore, #tpu.memory_space<semaphore_mem>>)
    %dma_wait3A = tpu.memref_slice %arg5[%mul3A_2] : memref<4096xi32, #tpu.memory_space<hbm>> -> memref<256xi32, #tpu.memory_space<hbm>>
    %dma_wait3A_32 = tpu.memref_slice %arg5[%mul3A_2] : memref<4096xi32, #tpu.memory_space<hbm>> -> memref<256xi32, #tpu.memory_space<hbm>>
    tpu.wait_dma2 semaphore(%arg30 : memref<!tpu.dma_semaphore, #tpu.memory_space<semaphore_mem>>) src(%dma_wait3A_32 : memref<256xi32, #tpu.memory_space<hbm>>) dst(%arg14 : memref<256xi32, #tpu.memory_space<vmem>>)
    %dma_wait3A_33 = arith.constant 0 : i32
    %dma_wait3A_34 = tpu.memref_slice %arg2[%mul3A_0, %dma_wait3A_33] : memref<512x160xf32, #tpu.memory_space<hbm>> -> memref<32x160xf32, #tpu.memory_space<hbm>>
    %dma_wait3A_35 = arith.constant 0 : i32
    %dma_wait3A_36 = tpu.memref_slice %arg2[%mul3A_0, %dma_wait3A_35] : memref<512x160xf32, #tpu.memory_space<hbm>> -> memref<32x160xf32, #tpu.memory_space<hbm>>
    tpu.wait_dma2 semaphore(%arg30 : memref<!tpu.dma_semaphore, #tpu.memory_space<semaphore_mem>>) src(%dma_wait3A_36 : memref<32x160xf32, #tpu.memory_space<hbm>>) dst(%arg20 : memref<32x160xf32, #tpu.memory_space<vmem>>)
    "tpu.region"() ({
      %run_scoped3A = tpu.sem_alloc : memref<!tpu.dma_semaphore, #tpu.memory_space<semaphore_mem>>
      %dma_start3A_37 = arith.constant 0 : i32
      %dma_start3A_38 = tpu.memref_slice %arg13[%mul3A_0, %dma_start3A_37] : memref<512x160xf32, #tpu.memory_space<hbm>> -> memref<32x160xf32, #tpu.memory_space<hbm>>
      %dma_start3A_39 = arith.constant 0 : i32
      %dma_start3A_40 = tpu.memref_slice %arg13[%mul3A_0, %dma_start3A_39] : memref<512x160xf32, #tpu.memory_space<hbm>> -> memref<32x160xf32, #tpu.memory_space<hbm>>
      tpu.enqueue_dma source(%arg20 : memref<32x160xf32, #tpu.memory_space<vmem>>) target(%dma_start3A_40 : memref<32x160xf32, #tpu.memory_space<hbm>>) target_semaphore(%run_scoped3A : memref<!tpu.dma_semaphore, #tpu.memory_space<semaphore_mem>>)
      %dma_wait3A_41 = arith.constant 0 : i32
      %dma_wait3A_42 = tpu.memref_slice %arg13[%mul3A_0, %dma_wait3A_41] : memref<512x160xf32, #tpu.memory_space<hbm>> -> memref<32x160xf32, #tpu.memory_space<hbm>>
      %dma_wait3A_43 = arith.constant 0 : i32
      %dma_wait3A_44 = tpu.memref_slice %arg13[%mul3A_0, %dma_wait3A_43] : memref<512x160xf32, #tpu.memory_space<hbm>> -> memref<32x160xf32, #tpu.memory_space<hbm>>
      tpu.wait_dma2 semaphore(%run_scoped3A : memref<!tpu.dma_semaphore, #tpu.memory_space<semaphore_mem>>) src(%arg20 : memref<32x160xf32, #tpu.memory_space<vmem>>) dst(%dma_wait3A_44 : memref<32x160xf32, #tpu.memory_space<hbm>>)
      tpu.yield
    }) : () -> ()
    return
  }
}

module attributes {stable_mosaic.version = 14 : i64} {
  func.func @_tc_pre_body(%arg0: memref<512x64xf32, #tpu.memory_space<vmem>>, %arg1: memref<512x64xf32, #tpu.memory_space<vmem>>, %arg2: memref<512x64xf32, #tpu.memory_space<vmem>>, %arg3: memref<512x8xf32, #tpu.memory_space<vmem>>, %arg4: memref<64x160xf32, #tpu.memory_space<vmem>>, %arg5: memref<512x160xf32, #tpu.memory_space<vmem>>, %arg6: memref<512x160xf32, #tpu.memory_space<vmem>>, %arg7: memref<512x160xf32, #tpu.memory_space<vmem>>) attributes {dimension_semantics = [], scalar_prefetch = 0 : i64, scratch_operands = 0 : i64, tpu.core_type = #tpu.core_type<tc>} {
    %get3A = arith.constant 0 : index
    %get3A_0 = arith.constant 0 : index
    %get3A_1 = vector.load %arg4[%get3A, %get3A_0] : memref<64x160xf32, #tpu.memory_space<vmem>>, vector<64x160xf32>
    %get3A_2 = arith.constant 0 : index
    %get3A_3 = arith.constant 0 : index
    %get3A_4 = vector.load %arg3[%get3A_2, %get3A_3] : memref<512x8xf32, #tpu.memory_space<vmem>>, vector<512x8xf32>
    %reduce_sum3A = arith.constant dense<0.000000e+00> : vector<512xf32>
    %reduce_sum3A_5 = vector.multi_reduction <add>, %get3A_4, %reduce_sum3A [1] : vector<512x8xf32> to vector<512xf32>
    %broadcast_in_dim3A = vector.shape_cast %reduce_sum3A_5 : vector<512xf32> to vector<512x1xf32>
    %mul3A = arith.constant 1.250000e-01 : f32
    %mul3A_6 = vector.broadcast %mul3A : f32 to vector<512x1xf32>
    %mul3A_7 = arith.mulf %broadcast_in_dim3A, %mul3A_6 : vector<512x1xf32>
    %get3A_8 = arith.constant 0 : index
    %get3A_9 = arith.constant 0 : index
    %get3A_10 = vector.load %arg0[%get3A_8, %get3A_9] : memref<512x64xf32, #tpu.memory_space<vmem>>, vector<512x64xf32>
    %dot_general3A = arith.constant dense<0.000000e+00> : vector<512x160xf32>
    %dot_general3A_11 = tpu.matmul %get3A_10, %get3A_1, %dot_general3A {dimension_numbers = #tpu.dot_dimension_numbers<[1], [0], [0], [1], [0, 0, 1, 1], [], []>, transpose_lhs_hint = false} : vector<512x64xf32>, vector<64x160xf32>, vector<512x160xf32> -> vector<512x160xf32>
    %mul3A_12 = vector.broadcast %mul3A_7 : vector<512x1xf32> to vector<512x160xf32>
    %mul3A_13 = arith.mulf %dot_general3A_11, %mul3A_12 : vector<512x160xf32>
    %swap3A = arith.constant 0 : index
    %swap3A_14 = arith.constant 0 : index
    %swap3A_15 = vector.load %arg5[%swap3A, %swap3A_14] : memref<512x160xf32, #tpu.memory_space<vmem>>, vector<512x160xf32>
    tpu.vector_store %arg5[%swap3A, %swap3A_14], %mul3A_13 {strides = array<i32>} : memref<512x160xf32, #tpu.memory_space<vmem>>, vector<512x160xf32>,
    %get3A_16 = arith.constant 0 : index
    %get3A_17 = arith.constant 0 : index
    %get3A_18 = vector.load %arg1[%get3A_16, %get3A_17] : memref<512x64xf32, #tpu.memory_space<vmem>>, vector<512x64xf32>
    %dot_general3A_19 = arith.constant dense<0.000000e+00> : vector<512x160xf32>
    %dot_general3A_20 = tpu.matmul %get3A_18, %get3A_1, %dot_general3A_19 {dimension_numbers = #tpu.dot_dimension_numbers<[1], [0], [0], [1], [0, 0, 1, 1], [], []>, transpose_lhs_hint = false} : vector<512x64xf32>, vector<64x160xf32>, vector<512x160xf32> -> vector<512x160xf32>
    %swap3A_21 = arith.constant 0 : index
    %swap3A_22 = arith.constant 0 : index
    %swap3A_23 = vector.load %arg6[%swap3A_21, %swap3A_22] : memref<512x160xf32, #tpu.memory_space<vmem>>, vector<512x160xf32>
    tpu.vector_store %arg6[%swap3A_21, %swap3A_22], %dot_general3A_20 {strides = array<i32>} : memref<512x160xf32, #tpu.memory_space<vmem>>, vector<512x160xf32>,
    %get3A_24 = arith.constant 0 : index
    %get3A_25 = arith.constant 0 : index
    %get3A_26 = vector.load %arg2[%get3A_24, %get3A_25] : memref<512x64xf32, #tpu.memory_space<vmem>>, vector<512x64xf32>
    %dot_general3A_27 = arith.constant dense<0.000000e+00> : vector<512x160xf32>
    %dot_general3A_28 = tpu.matmul %get3A_26, %get3A_1, %dot_general3A_27 {dimension_numbers = #tpu.dot_dimension_numbers<[1], [0], [0], [1], [0, 0, 1, 1], [], []>, transpose_lhs_hint = false} : vector<512x64xf32>, vector<64x160xf32>, vector<512x160xf32> -> vector<512x160xf32>
    %swap3A_29 = arith.constant 0 : index
    %swap3A_30 = arith.constant 0 : index
    %swap3A_31 = vector.load %arg7[%swap3A_29, %swap3A_30] : memref<512x160xf32, #tpu.memory_space<vmem>>, vector<512x160xf32>
    tpu.vector_store %arg7[%swap3A_29, %swap3A_30], %dot_general3A_28 {strides = array<i32>} : memref<512x160xf32, #tpu.memory_space<vmem>>, vector<512x160xf32>,
    return
  }
}

module attributes {stable_mosaic.version = 14 : i64} {
  func.func @_tc_conv2_body(%arg0: memref<512x160xf32, #tpu.memory_space<vmem>>, %arg1: memref<160x160xf32, #tpu.memory_space<vmem>>, %arg2: memref<160x1xf32, #tpu.memory_space<vmem>>, %arg3: memref<160x512xf32, #tpu.memory_space<vmem>>) attributes {dimension_semantics = [], scalar_prefetch = 0 : i64, scratch_operands = 0 : i64, tpu.core_type = #tpu.core_type<tc>} {
    %get3A = arith.constant 0 : index
    %get3A_0 = arith.constant 0 : index
    %get3A_1 = vector.load %arg1[%get3A, %get3A_0] : memref<160x160xf32, #tpu.memory_space<vmem>>, vector<160x160xf32>
    %get3A_2 = arith.constant 0 : index
    %get3A_3 = arith.constant 0 : index
    %get3A_4 = vector.load %arg0[%get3A_2, %get3A_3] : memref<512x160xf32, #tpu.memory_space<vmem>>, vector<512x160xf32>
    %dot_general3A = arith.constant dense<0.000000e+00> : vector<160x512xf32>
    %dot_general3A_5 = tpu.matmul %get3A_1, %get3A_4, %dot_general3A {dimension_numbers = #tpu.dot_dimension_numbers<[1], [1], [0], [0], [0, 0, 1, 0], [], []>, transpose_lhs_hint = false} : vector<160x160xf32>, vector<512x160xf32>, vector<160x512xf32> -> vector<160x512xf32>
    %get3A_6 = arith.constant 0 : index
    %get3A_7 = arith.constant 0 : index
    %get3A_8 = vector.load %arg2[%get3A_6, %get3A_7] : memref<160x1xf32, #tpu.memory_space<vmem>>, vector<160x1xf32>
    %add3A = vector.broadcast %get3A_8 : vector<160x1xf32> to vector<160x512xf32>
    %add3A_9 = arith.addf %dot_general3A_5, %add3A : vector<160x512xf32>
    %swap3A = arith.constant 0 : index
    %swap3A_10 = arith.constant 0 : index
    %swap3A_11 = vector.load %arg3[%swap3A, %swap3A_10] : memref<160x512xf32, #tpu.memory_space<vmem>>, vector<160x512xf32>
    tpu.vector_store %arg3[%swap3A, %swap3A_10], %add3A_9 {strides = array<i32>} : memref<160x512xf32, #tpu.memory_space<vmem>>, vector<160x512xf32>,
    return
  }
}

</mosaic_0001>

<sc_bundles>
// kernel: kernel.5.cloned.1.call-start
scs
__scs_entry_jumppad:
0x0: {  	(pc) =	sbr.rel $0x88, $3  }
0x1: {  	(tag) =	ssettag $0x0;
	lr =	simm.s32 $0x1  }
0x2: {  	[smem:$0x3F94] =	sst lr;
	_ =	strace $0xD0000000  }
0x3: {  	_ = 	snop  }
0x4: {  	_ = 	snop  }
0x5: {  	_ = 	snop  }
0x6: {  	_ = 	snop  }
0x7: {  	_ = 	snop  }
__scs_overlays_trampoline_lowered:
0x8: {  	[smem:$0x3FA3] =	sst s0  }
0x9: {  	[smem:$0x3FA4] =	sst s1  }
0xa: {  	[smem:$0x3FA5] =	sst s2  }
0xb: {  	[smem:$0x3FA6] =	sst s3  }
0xc: {  	[smem:$0x3FA7] =	sst s4  }
0xd: {  	[smem:$0x3FA8] =	sst s5  }
0xe: {  	[smem:$0x3FA9] =	sst s6  }
0xf: {  	[smem:$0x3FAA] =	sst s7  }
0x10: {  	[smem:$0x3FAB] =	sst s8  }
0x11: {  	[smem:$0x3FAC] =	sst s9;
	s0 =	simm.s32 @!p0 $0x0  }
0x12: {  	s1 =	sld [smem:$0x3F92];
	s0 =	simm.s32 @p0 $0x1  }
0x13: {  	[smem:$0x3FAD] =	sst s0;
	s0 =	simm.s32 @!p1 $0x0  }
0x14: {  	s2 =	sld [smem:$0x3F91];
	s0 =	simm.s32 @p1 $0x1  }
0x15: {  	[smem:$0x3FAE] =	sst s0;
	s0 =	simm.s32 @!p2 $0x0  }
0x16: {  	s3 =	sld [smem:$0x3FDB];
	s0 =	simm.s32 @p2 $0x1  }
0x17: {  	s4 =	simm.s32 $0x1BF5;
	[smem:$0x3FB0] =	sst s0  }
0x18: {  	s0 =	sld [smem:$0x3F93];
	_ =	swait.ge [sflag:s4], $0x0  }
0x19: {  	s7 =	sld [smem:$0x3F94]  }
0x1a: {  	s8 =	sadd.s32 $0xFFFFE003, lr  }
0x1b: {  	s9 =	sadd.s32 $0xFFFFFEF7, lr;
	s5 =	simm.s32 $0xFFFFFFFF;
	p2 =	slt.u32 s8, $0xFFFFF086  }
0x1c: {  	p1 =	slt.u32 s9, $0xF7A;
	s5 =	simm.s32 @!p2 $0x0  }
0x1d: {  	s5 =	simm.s32 @p1 $0x1;
	p0 =	seq.s32 s7, s2  }
0x1e: {  	s7 =	smul.u32 @!p0 $0xF7A, s2;
	p2 =	seq.s32 @!p0 s5, $0x0  }
0x1f: {  	s9 =	smul.u32 $0xF7A, s1;
	s8 =	simm.s32 @!p0 $0x1BF5;
	p2 =	por !p2, p0  }
0x20: {  	[sflag:s8] =	ssyncset.s32 @!p0 $0xFFFFF086;
	s6 =	sadd.s32 @!p0 s3, s7;
	s7 =	simm.s32 @!p0 $0x108  }
0x21: {  	s3 =	sadd.s32 s3, s9;
	s6 =	sadd.s32 @!p0 $0x88, s6;
	s7 =	simm.s32 @p2 $0x1082  }
0x22: {  	[simem:s7], [sflag:s8] =	dma.local @!p0 [hbm:s6], $0xF7A  }
0x23: {  	s9 =	sor.u32 $0xD0000000, s2;
	s6 =	simm.s32 $0x108;
	_ =	swait.ge @!p0 [sflag:s8], $0x0  }
0x24: {  	s3 =	sadd.s32 $0x88, s3;
	s6 =	simm.s32 @!p1 $0x1082;
	[sflag:s4] =	ssyncset.s32 $0xFFFFF086  }
0x25: {  	[simem:s6], [sflag:s4] =	dma.local [hbm:s3], $0xF7A  }
0x26: {  	[smem:$0x3F94] =	sst s1;
	(tag) =	ssettag s2;
	_ =	strace s9  }
0x27: {  	s1 =	sld [smem:$0x3FA4]  }
0x28: {  	s2 =	sld [smem:$0x3FA5]  }
0x29: {  	s4 =	sld [smem:$0x3FA7]  }
0x2a: {  	p0 =	seq.s32 s5, $0x0;
	s5 =	sld [smem:$0x3FA8]  }
0x2b: {  	s6 =	sld [smem:$0x3FA9]  }
0x2c: {  	s7 =	sld [smem:$0x3FAA]  }
0x2d: {  	s3 =	simm.s32 $0x108;
	s8 =	sld [smem:$0x3FAB]  }
0x2e: {  	s3 =	simm.s32 @!p0 $0x1082;
	s9 =	sld [smem:$0x3FAC]  }
0x2f: {  	lr =	sadd.s32 s0, s3;
	s0 =	sld [smem:$0x3FA3]  }
0x30: {  	s3 =	sld [smem:$0x3FA6]  }
0x31: {  	[smem:$0x3FAF] =	sst s10  }
0x32: {  	s10 =	sld [smem:$0x3FAD];
	_ =	sdelay $0x3  }
0x33: {  	p0 =	seq.s32 s10, $0x1;
	s10 =	sld [smem:$0x3FAF];
	_ =	sdelay $0x3  }
0x34: {  	[smem:$0x3FAF] =	sst s10  }
0x35: {  	s10 =	sld [smem:$0x3FAE];
	_ =	sdelay $0x3  }
0x36: {  	p1 =	seq.s32 s10, $0x1;
	s10 =	sld [smem:$0x3FAF];
	_ =	sdelay $0x3  }
0x37: {  	[smem:$0x3FAF] =	sst s10  }
0x38: {  	s10 =	sld [smem:$0x3FB0]  }
0x39: {  	_ = 	snop;
	(pc) =	sbr.ind lr, $3  }
0x3a: {  	_ = 	snop  }
0x3b: {  	_ = 	snop  }
0x3c: {  	p2 =	seq.s32 s10, $0x1;
	s10 =	sld [smem:$0x3FAF]  }
0x3d: {  	_ =	shalt  }
0x3e: {  	_ =	shalt  }
0x3f: {  	_ =	shalt  }
0x40: {  	_ =	shalt  }
0x41: {  	_ =	shalt  }
0x42: {  	_ =	shalt  }
0x43: {  	_ =	shalt  }
0x44: {  	_ =	shalt  }
0x45: {  	_ =	shalt  }
0x46: {  	_ =	shalt  }
0x47: {  	_ =	shalt  }
0x48: {  	_ =	shalt  }
0x49: {  	_ =	shalt  }
0x4a: {  	_ =	shalt  }
0x4b: {  	_ =	shalt  }
0x4c: {  	_ =	shalt  }
0x4d: {  	_ =	shalt  }
0x4e: {  	_ =	shalt  }
0x4f: {  	_ =	shalt  }
0x50: {  	_ =	shalt  }
0x51: {  	_ =	shalt  }
0x52: {  	_ =	shalt  }
0x53: {  	_ =	shalt  }
0x54: {  	_ =	shalt  }
0x55: {  	_ =	shalt  }
0x56: {  	_ =	shalt  }
0x57: {  	_ =	shalt  }
0x58: {  	_ =	shalt  }
0x59: {  	_ =	shalt  }
0x5a: {  	_ =	shalt  }
0x5b: {  	_ =	shalt  }
0x5c: {  	_ =	shalt  }
0x5d: {  	_ =	shalt  }
0x5e: {  	_ =	shalt  }
0x5f: {  	_ =	shalt  }
0x60: {  	_ =	shalt  }
0x61: {  	_ =	shalt  }
0x62: {  	_ =	shalt  }
0x63: {  	_ =	shalt  }
0x64: {  	_ =	shalt  }
0x65: {  	_ =	shalt  }
0x66: {  	_ =	shalt  }
0x67: {  	_ =	shalt  }
0x68: {  	_ =	shalt  }
0x69: {  	_ =	shalt  }
0x6a: {  	_ =	shalt  }
0x6b: {  	_ =	shalt  }
0x6c: {  	_ =	shalt  }
0x6d: {  	_ =	shalt  }
0x6e: {  	_ =	shalt  }
0x6f: {  	_ =	shalt  }
0x70: {  	_ =	shalt  }
0x71: {  	_ =	shalt  }
0x72: {  	_ =	shalt  }
0x73: {  	_ =	shalt  }
0x74: {  	_ =	shalt  }
0x75: {  	_ =	shalt  }
0x76: {  	_ =	shalt  }
0x77: {  	_ =	shalt  }
0x78: {  	_ =	shalt  }
0x79: {  	_ =	shalt  }
0x7a: {  	_ =	shalt  }
0x7b: {  	_ =	shalt  }
0x7c: {  	_ =	shalt  }
0x7d: {  	_ =	shalt  }
0x7e: {  	_ =	shalt  }
0x7f: {  	_ =	shalt  }
0x80: {  	_ =	shalt  }
0x81: {  	_ =	shalt  }
0x82: {  	_ =	shalt  }
0x83: {  	_ =	shalt  }
0x84: {  	_ =	shalt  }
0x85: {  	_ =	shalt  }
0x86: {  	_ =	shalt  }
0x87: {  	_ =	shalt  }
.Lfunc_end0:
.L_simem_size_0:
called_computation_lowered:
.L_overlay_start_0:
0x88: {  	s0 =	sld [smem:$0x3FD9]  }
0x89: {  	s1 =	sld [smem:$0x3FFE];
	_ =	sdelay $0x3  }
0x8a: {  	s0 =	sadd.s32 s1, s0  }
0x8b: {  	[smem:$0x3FBB] =	sst s0  }
0x8c: {  	_ = 	snop  }
0x8d: {  	s0 =	sld [smem:$0x3FBF]  }
0x8e: {  	s16 =	sld [smem:$0x3FD0];
	(tm) =	ssettm $0x1  }
0x8f: {  	s2 =	sld [smem:$0x3FFB];
	_ =	sdelay $0x3  }
0x90: {  	_ =	strace s2  }
0x91: {  	s2 =	sld [smem:$0x3FFC];
	_ =	sdelay $0x3  }
0x92: {  	_ =	strace s2  }
0x93: {  	s2 =	sld [smem:$0x3FFD];
	_ =	sdelay $0x3  }
0x94: {  	_ =	strace s2  }
0x95: {  	_ =	strace $0x8FFFFFFF  }
0x96: {  	s17 =	sld [smem:$0x3FDB];
	_ =	sdelay $0x1  }
0x97: {  	s3 =	simm.s32 $_scs_section_size  }
0x98: {  	s4 =	simm.s32 $_size__tile_overlayer_lowered;
	s5 =	simm.s32 $_tile_overlayer_lowered  }
0x99: {  	s20 =	simm.s32 $0x1BFF;
	s19 =	sshll.u32 s5, $0x1;
	s2 =	sadd.s32 s3, s17  }
0x9a: {  	s6 =	simm.s32 $0x0;
	s18 =	sshll.u32 s4, $0x1;
	s4 =	sadd.s32 s19, s2  }
0x9b: {  	[timem:s6], [sflag:s20] =	dma.local [hbm:s4], s18  }
0x9c: {  	_ =	swait.ge [sflag:s20], s18  }
0x9d: {  	s3 =	ssub.s32 $0x0, s18;
	[sflag:s20] =	ssyncset.done $0x0  }
0x9e: {  	[sflag:s20] =	ssyncadd.s32 s3;
	_ =	sdelay $0x1  }
0x9f: {  	s21 =	simm.s32 $0x1B8B  }
0xa0: {  	_ =	swait.ge [sflag:s21], $0x1  }
0xa1: {  	[sflag:s21] =	ssyncset.done $0x0  }
0xa2: {  	s23 =	simm.s32 $0x1B8E;
	s22 =	sld [smem:$0x3FFE];
	[sflag:s21] =	ssyncadd.s32 $0xFFFFFFFF  }
0xa3: {  	s24 =	simm.s32 $execute0_lowered;
	[smem:$0x3FD2] =	sst s23  }
0xa4: {  	s4 =	sshll.u32 s24, $0x1;
	_ =	strace $0x80000046;
	[dreg:$0x1] =	wrdreg $0xFFFFFFFF  }
0xa5: {  	s25 =	simm.s32 $_size_execute0_lowered;
	s2 =	sadd.s32 s2, s4;
	[dreg:$0x0] =	wrdreg $0x0  }
0xa6: {  	s4 =	sshll.u32 s25, $0x1;
	[dreg:$0x2] =	wrdreg s2  }
0xa7: {  	[dreg:$0x3] =	wrdreg s4  }
0xa8: {  	[dreg:$0x4] =	wrdreg $0xC0  }
0xa9: {  	_ =	task [dreg:s6], $0x5FFFF  }
0xaa: {  	[dreg:$0x1] =	wrdreg $0xFFFFFFFF  }
0xab: {  	[dreg:$0x0] =	wrdreg $0x60  }
0xac: {  	[dreg:$0x2] =	wrdreg s16  }
0xad: {  	[dreg:$0x3] =	wrdreg s22  }
0xae: {  	[dreg:$0x4] =	wrdreg s0  }
0xaf: {  	[dreg:$0x5] =	wrdreg $0x9  }
0xb0: {  	_ =	task.clear_ibuf [dreg:s6], $0x6FFFF;
	_ =	strace $0x90000046  }
0xb1: {  	s26 =	simm.s32 $0x9;
	_ =	strace $0x80000048  }
0xb2: {  	_ =	swait.ge [sflag:s26], $0x1  }
0xb3: {  	[sflag:s26] =	ssyncadd.s32 $0xFFFFFFFF  }
0xb4: {  	_ =	strace $0x90000048  }
0xb5: {  	_ =	sfence  }
0xb6: {  	s28 =	sld [smem:$0x0];
	_ =	sdelay $0x1  }
0xb7: {  	s29 =	srdreg.scid  }
0xb8: {  	s30 =	sshll.u32 s29, $0xD;
	s31 =	sshrl.u32 s29, $0x2  }
0xb9: {  	s1 =	sand.u32 $0x1, s29;
	s2 =	sand.u32 $0x4000, s30;
	s0 =	sadd.s32 s31, s28  }
0xba: {  	s1 =	sor.u32 s2, s1;
	s0 =	sshll.u32 s0, $0x11  }
0xbb: {  	s0 =	sor.u32 s0, s1  }
0xbc: {  	s0 =	sadd.s32 $0x8F2B, s0  }
0xbd: {  	[sflag:s0] =	ssyncadd.remote.s32 $0x1  }
0xbe: {  	_ =	sfence.sel $0xFFFF  }
0xbf: {  	[dreg:$0x0] =	wrdreg $0xFFFFFFFF;
	(pc) =	sbr.abs _section_cstart, $3  }
0xc0: {  	[dreg:$0x1] =	wrdreg $0xFFFFFFFF  }
0xc1: {  	_ =	task.clear_ibuf [dreg:s6], $0x2FFFF;
	_ =	strace $0x9FFFFFFF  }
0xc2: {  	(tm) =	ssettm $0x7FFFFFFF  }
0xc3: {  	_ =	shalt  }
tec
execute0_lowered:
.L_overlay_start_1:
0x0: {  	(tag) =	ssettag $0x1  }
0x1: {  	s0 =	rddreg [dreg:$0x0]  }
0x2: {  	s1 =	rddreg [dreg:$0x1]  }
0x3: {  	s2 =	rddreg [dreg:$0x2];
	s3 =	stileid.u32  }
0x4: {  	s4 =	rddreg [dreg:$0x3];
	s5 =	simm.s32 $0x0;
	s6 =	sshll.u32 s3, $0x5  }
0x5: {  	[smem:$0x7FF] =	sst s5;
	s7 =	sshll.u32 s3, $0x4;
	s6 =	sadd.s32 s6, s1  }
0x6: {  	_ =	strace $0x80000047;
	s7 =	sadd.s32 s7, s1;
	s8 =	sadd.s32 $0x5A00, s6  }
0x7: {  	[tilespmem:s5], [sflag:$0x1] =	stream.linear.gather [hbm4b:s8+s5], $0x100, $0x38;
	[tilespmem:$0x40A0] =	vst v63  }
0x8: {  	s9 =	simm.s32 $0x100;
	s17 =	sadd.s32 $0x6000, s7  }
0x9: {  	[tilespmem:s9], [sflag:$0x1] =	stream.linear.gather [hbm4b:s17+s5], $0x80, $0x38;
	[tilespmem:$0x40A0] =	vst v63  }
0xa: {  	s19 =	simm.s32 $0x180;
	s18 =	sadd.s32 $0x5E00, s6  }
0xb: {  	[tilespmem:s19], [sflag:$0x1] =	stream.linear.gather [hbm4b:s18+s5], $0x100, $0x38;
	[tilespmem:$0x40A0] =	vst v63  }
0xc: {  	s20 =	simm.s32 $0x280;
	s7 =	sadd.s32 $0x5C00, s7  }
0xd: {  	[tilespmem:s20], [sflag:$0x1] =	stream.linear.gather [hbm4b:s7+s5], $0x80, $0x38;
	[tilespmem:$0x40A0] =	vst v63  }
0xe: {  	s21 =	simm.s32 $0x300;
	s6 =	sadd.s32 $0x600, s6  }
0xf: {  	[tilespmem:s21], [sflag:$0x1] =	stream.linear.gather [hbm4b:s6+s5], $0x100, $0x38;
	[tilespmem:$0x40A0] =	vst v63  }
0x10: {  	s23 =	simm.s32 $0x400;
	s22 =	smul.u32 $0x280, s3  }
0x11: {  	[tilespmem:s23], [sflag:$0x1] =	stream.linear.gather [hbm4b:s2+s5], $0xA0, $0x38;
	[tilespmem:$0x40A0] =	vst v63  }
0x12: {  	s24 =	simm.s32 $0x4A0;
	s1 =	sadd.s32 s22, s1;
	s0 =	sadd.s32 s0, s22  }
0x13: {  	[tilespmem:s24], [sflag:$0x1] =	stream.linear.gather [hbm4b:s0+s5], $0x1400, $0x38;
	[tilespmem:$0x40A0] =	vst v63  }
0x14: {  	s26 =	simm.s32 $0x18A0;
	s25 =	sadd.s32 $0x8A00, s1  }
0x15: {  	[tilespmem:s26], [sflag:$0x1] =	stream.linear.gather [hbm4b:s25+s5], $0x1400, $0x38;
	[tilespmem:$0x40A0] =	vst v63  }
0x16: {  	s29 =	simm.s32 $0x2CA0;
	s30 =	simm.s32 $0x1;
	s28 =	sadd.s32 $0x6200, s1  }
0x17: {  	[tilespmem:s29], [sflag:$0x1] =	stream.linear.gather [hbm4b:s28+s5], $0x1400, $0x38;
	[tilespmem:$0x40A0] =	vst v63  }
0x18: {  	_ =	swait.ge [sflag:s30], $0x100  }
0x19: {  	[sflag:s30] =	ssyncset.done $0x0  }
0x1a: {  	[sflag:s30] =	ssyncadd.s32 $0xFFFFFF00  }
0x1b: {  	_ =	swait.ge [sflag:s30], $0x1400  }
0x1c: {  	[sflag:s30] =	ssyncset.done $0x0  }
0x1d: {  	s31 =	simm.s32 $0x2;
	s1 =	sadd.s32 $0xB200, s1;
	[sflag:s30] =	ssyncadd.s32 $0xFFFFEC00  }
0x1e: {  	[hbm4b:s1+s5] =	stream.linear.scatter [tilespmem:s24], [sflag:$0x2], $0x1400, $0x38;
	[tilespmem:$0x40A0] =	vst v63  }
0x1f: {  	_ =	swait.ge [sflag:s31], $0x1400  }
0x20: {  	[sflag:s31] =	ssyncset.done $0x0  }
0x21: {  	[sflag:s31] =	ssyncadd.s32 $0xFFFFEC00  }
0x22: {  	_ =	sfence.sel $0x180000  }
0x23: {  	[bflag:$0x0] =	sbarrier.arrive $0xFFFF  }
0x24: {  	p0 =	sne.s32 s3, $0x0;
	_ =	strace $0x90000047  }
0x25: {  	s0 =	sadd.s32 @!p0 $0x100000, s4;
	[bflag:$0x2] =	sbarrier.arrive $0xFFFF  }
0x26: {  	[sflag:s0] =	ssyncadd.tile.s32 @!p0 $0x1;
	_ =	shalt  }
.Lfunc_end2:
_tile_overlayer_lowered:
.L_overlay_start_2:
0x27: {  	(tag) =	ssettag $0x2  }
0x28: {  	s0 =	rddreg [dreg:$0x0];
	s2 =	stileid.u32  }
0x29: {  	s1 =	rddreg [dreg:$0x1];
	p0 =	sne.s32 s2, $0x0  }
0x2a: {  	s3 =	rddreg [dreg:$0x2];
	[bflag:$0x3] =	sbarrier.arrive $0xFFFF;
	s2 =	simm.s32 @!p0 $0x1C02  }
0x2b: {  	[timem:s3], [sflag:s2] =	dma.local @!p0 [hbm:s0], s1  }
0x2c: {  	s0 =	simm.s32 @!p0 $0x2  }
0x2d: {  	_ =	swait.ge @!p0 [sflag:s0], s1  }
0x2e: {  	s1 =	ssub.s32 @!p0 $0x0, s1;
	[sflag:s0] =	ssyncset.done @!p0 $0x0  }
0x2f: {  	[sflag:s0] =	ssyncadd.s32 @!p0 s1  }
0x30: {  	[bflag:$0x3] =	sbarrier.arrive $0xFFFF  }
0x31: {  	_ =	shalt  }

</sc_bundles>
